<compile_context>
chip_gen: v7x
topology: tpu7x:2x2x1
jax: 0.10.2.dev20260603
libtpu: 0.0.44.dev20260713+nightly
codegen_flags: <defaults>
</compile_context>

<pallas_src>
import functools

import jax
import jax.numpy as jnp
from jax import lax
from jax.experimental import pallas as pl
from jax.experimental.pallas import tpu as pltpu
from jax.experimental.pallas import tpu_sc as plsc

BATCH = 16
PROMPT_LEN = 128
HIDDEN = 2048
NUM_CODES = 8192
CODE_DIM = 64

TOKENS = BATCH * PROMPT_LEN
TILE = 512
TILE_DEC = 256


def _encode_body(x_ref, w_enc_ref, b_enc_ref, cb_ref, z_e_ref, idx_ref,
                 idx_pair_ref):
    x = x_ref[...]
    cb = cb_ref[...]

    z_e = (
        lax.dot_general(x, w_enc_ref[...], (((1,), (0,)), ((), ())),
                        preferred_element_type=jnp.float32)
        + b_enc_ref[...]
    )
    z_e_ref[...] = z_e

    zz = jnp.sum(z_e * z_e, axis=1, keepdims=True)
    cross = lax.dot_general(z_e, cb, (((1,), (1,)), ((), ())),
                            preferred_element_type=jnp.float32)
    cc = jnp.sum(cb * cb, axis=1)
    d2 = (zz - 2.0 * cross) + cc[None, :]
    idx = jnp.argmin(d2, axis=1).astype(jnp.int32)
    idx_ref[...] = idx[None, None, :]
    idx_pair_ref[...] = lax.shift_right_logical(idx, 1)[None, None, :]


def _decode_body(z_e_ref, z_q2_ref, idx_ref, w_dec_ref, b_dec_ref, out_ref):
    z_e = z_e_ref[...]
    z_q2 = z_q2_ref[...]
    parity = (idx_ref[0, 0, :] & 1)[:, None]
    z_q = jnp.where(parity == 1,
                    z_q2[:, CODE_DIM:],
                    z_q2[:, :CODE_DIM])
    z_q_st = z_e + (z_q - z_e)
    out_ref[...] = (
        lax.dot_general(z_q_st, w_dec_ref[...], (((1,), (0,)), ((), ())),
                        preferred_element_type=jnp.float32)
        + b_dec_ref[...]
    )


def _sc_gather(table, idx, width):
    info = plsc.get_sparse_core_info()
    nc, ns = info.num_cores, info.num_subcores
    rows_per_worker = TOKENS // (nc * ns)
    mesh = plsc.VectorSubcoreMesh(core_axis_name="c", subcore_axis_name="s")

    @functools.partial(
        pl.kernel,
        mesh=mesh,
        out_type=jax.ShapeDtypeStruct((TOKENS, width), jnp.float32),
        scratch_types=[
            pltpu.VMEM((rows_per_worker,), jnp.int32),
            pltpu.VMEM((rows_per_worker, width), jnp.float32),
            pltpu.SemaphoreType.DMA,
        ],
    )
    def gather(table_hbm, idx_hbm, out_hbm, idx_v, rows_v, sem):
        wid = lax.axis_index("s") * nc + lax.axis_index("c")
        base = wid * rows_per_worker
        pltpu.sync_copy(idx_hbm.at[pl.ds(base, rows_per_worker)], idx_v)
        pltpu.async_copy(table_hbm.at[idx_v], rows_v, sem).wait()
        pltpu.sync_copy(rows_v, out_hbm.at[pl.ds(base, rows_per_worker)])

    return gather(table, idx)


@functools.partial(jax.jit, static_argnames=("interpret",))
def kernel(task_des, W_enc, b_enc, codebook, W_dec, b_dec, interpret=False):
    x = task_des.reshape(TOKENS, HIDDEN)
    n_enc = TOKENS // TILE
    z_e, idx3, idx_pair3 = pl.pallas_call(
        _encode_body,
        grid=(n_enc,),
        in_specs=[
            pl.BlockSpec((TILE, HIDDEN), lambda i: (i, 0)),
            pl.BlockSpec((HIDDEN, CODE_DIM), lambda i: (0, 0)),
            pl.BlockSpec((1, CODE_DIM), lambda i: (0, 0)),
            pl.BlockSpec((NUM_CODES, CODE_DIM), lambda i: (0, 0)),
        ],
        out_specs=[
            pl.BlockSpec((TILE, CODE_DIM), lambda i: (i, 0)),
            pl.BlockSpec((1, 1, TILE), lambda i: (i, 0, 0)),
            pl.BlockSpec((1, 1, TILE), lambda i: (i, 0, 0)),
        ],
        out_shape=[
            jax.ShapeDtypeStruct((TOKENS, CODE_DIM), jnp.float32),
            jax.ShapeDtypeStruct((n_enc, 1, TILE), jnp.int32),
            jax.ShapeDtypeStruct((n_enc, 1, TILE), jnp.int32),
        ],
        compiler_params=pltpu.CompilerParams(
            dimension_semantics=("parallel",)),
        interpret=interpret,
    )(x, W_enc, b_enc.reshape(1, CODE_DIM), codebook)

    table2 = codebook.reshape(NUM_CODES // 2, 2 * CODE_DIM)
    idx_pair = idx_pair3.reshape(TOKENS)
    if interpret:
        z_q2 = jnp.take(table2, idx_pair, axis=0)
    else:
        z_q2 = _sc_gather(table2, idx_pair, 2 * CODE_DIM)

    n_dec = TOKENS // TILE_DEC
    idx3d = idx3.reshape(n_dec, 1, TILE_DEC)
    out = pl.pallas_call(
        _decode_body,
        grid=(n_dec,),
        in_specs=[
            pl.BlockSpec((TILE_DEC, CODE_DIM), lambda i: (i, 0)),
            pl.BlockSpec((TILE_DEC, 2 * CODE_DIM), lambda i: (i, 0)),
            pl.BlockSpec((1, 1, TILE_DEC), lambda i: (i, 0, 0)),
            pl.BlockSpec((CODE_DIM, HIDDEN), lambda i: (0, 0)),
            pl.BlockSpec((1, HIDDEN), lambda i: (0, 0)),
        ],
        out_specs=pl.BlockSpec((TILE_DEC, HIDDEN), lambda i: (i, 0)),
        out_shape=jax.ShapeDtypeStruct((TOKENS, HIDDEN), jnp.float32),
        compiler_params=pltpu.CompilerParams(
            dimension_semantics=("parallel",)),
        interpret=interpret,
    )(z_e, z_q2, idx3d, W_dec, b_dec.reshape(1, HIDDEN))
    return out.reshape(BATCH, PROMPT_LEN, HIDDEN)

# --- scband reference (transcript-rebuilt; emitter-appended) ---
"""Pipeline reference for scband-prompt-encoder-70162585747500 (READ-ONLY COPY).

The authoritative reference and input builder live on the scoring server;
editing this copy changes nothing except your own understanding.
"""

import jax, jax.numpy as jnp
import numpy as np

BATCH = 16
PROMPT_LEN = 128
HIDDEN = 2048
NUM_CODES = 8192
CODE_DIM = 64


def setup_inputs(seed: int = 0) -> dict:
    key = jax.random.key(seed)
    ks = jax.random.split(key, 6)
    task_des = jax.random.normal(ks[0], (BATCH, PROMPT_LEN, HIDDEN), dtype=jnp.float32)
    W_enc = jax.random.normal(ks[1], (HIDDEN, CODE_DIM), dtype=jnp.float32) * (1.0 / np.sqrt(HIDDEN))
    b_enc = jnp.zeros((CODE_DIM,), dtype=jnp.float32)
    codebook = jax.random.normal(ks[2], (NUM_CODES, CODE_DIM), dtype=jnp.float32)
    W_dec = jax.random.normal(ks[3], (CODE_DIM, HIDDEN), dtype=jnp.float32) * (1.0 / np.sqrt(CODE_DIM))
    b_dec = jnp.zeros((HIDDEN,), dtype=jnp.float32)
    return {"task_des": task_des, "W_enc": W_enc, "b_enc": b_enc, "codebook": codebook, "W_dec": W_dec, "b_dec": b_dec}


def reference(task_des, W_enc, b_enc, codebook, W_dec, b_dec):
    # VQVAE prompt encoder: encode task description, vector-quantize against
    # the codebook (nearest neighbor, straight-through), decode to prompt.
    z_e = jnp.einsum('blh,hc->blc', task_des, W_enc) + b_enc  # [B, L, code_dim]
    flat = z_e.reshape(-1, z_e.shape[-1])                      # [B*L, code_dim]
    # Squared L2 distances to every code
    d2 = (jnp.sum(flat * flat, axis=1, keepdims=True)
          - 2.0 * flat @ codebook.T
          + jnp.sum(codebook * codebook, axis=1)[None, :])     # [B*L, K]
    idx = jnp.argmin(d2, axis=1)                               # [B*L]
    z_q = jnp.take(codebook, idx, axis=0).reshape(z_e.shape)   # gather codes
    # Straight-through estimator
    z_q_st = z_e + jax.lax.stop_gradient(z_q - z_e)
    prompt = jnp.einsum('blc,ch->blh', z_q_st, W_dec) + b_dec  # [B, L, hidden]
    return prompt

if __name__ == "__main__":
    import jax
    _d = setup_inputs()
    print(jax.jit(kernel)(*tuple(_d.values())))

</pallas_src>

<mosaic_0001>
#map = affine_map<(d0, d1) -> (0, 0)>
#map1 = affine_map<(d0, d1) -> (0)>
module attributes {stable_mosaic.version = 14 : i64} {
  func.func @gather(%arg0: i32, %arg1: i32, %arg2: memref<4096x128xf32, #tpu.memory_space<hbm>>, %arg3: memref<2048xi32, #tpu.memory_space<hbm>>, %arg4: memref<2048x128xf32, #tpu.memory_space<hbm>>, %arg5: memref<64xi32, #tpu.memory_space<vmem>>, %arg6: memref<64x128xf32, #tpu.memory_space<vmem>>, %arg7: memref<!tpu.dma_semaphore, #tpu.memory_space<semaphore_mem>>) attributes {dimension_semantics = [#tpu.dimension_semantics<core_parallel>, #tpu.dimension_semantics<subcore_parallel>], iteration_bounds = array<i64: 2, 16>, scalar_prefetch = 0 : i64, scratch_operands = 3 : i64, tpu.core_type = #tpu.core_type<sc_vector_subcore>, window_params = [{transform_indices = #map}, {transform_indices = #map1}, {transform_indices = #map}]} {
    %mul3A = arith.constant 2 : i32
    %mul3A_0 = arith.muli %arg1, %mul3A : i32
    %add3A = arith.addi %mul3A_0, %arg0 : i32
    %mul3A_1 = arith.constant 64 : i32
    %mul3A_2 = arith.muli %add3A, %mul3A_1 : i32
    "tpu.region"() ({
      %run_scoped3A = tpu.sem_alloc : memref<!tpu.dma_semaphore, #tpu.memory_space<semaphore_mem>>
      %dma_start3A_7 = tpu.memref_slice %arg3[%mul3A_2] : memref<2048xi32, #tpu.memory_space<hbm>> -> memref<64xi32, #tpu.memory_space<hbm>>
      %dma_start3A_8 = tpu.memref_slice %arg3[%mul3A_2] : memref<2048xi32, #tpu.memory_space<hbm>> -> memref<64xi32, #tpu.memory_space<hbm>>
      tpu.enqueue_dma source(%dma_start3A_8 : memref<64xi32, #tpu.memory_space<hbm>>) target(%arg5 : memref<64xi32, #tpu.memory_space<vmem>>) target_semaphore(%run_scoped3A : memref<!tpu.dma_semaphore, #tpu.memory_space<semaphore_mem>>)
      %dma_wait3A_9 = tpu.memref_slice %arg3[%mul3A_2] : memref<2048xi32, #tpu.memory_space<hbm>> -> memref<64xi32, #tpu.memory_space<hbm>>
      %dma_wait3A_10 = tpu.memref_slice %arg3[%mul3A_2] : memref<2048xi32, #tpu.memory_space<hbm>> -> memref<64xi32, #tpu.memory_space<hbm>>
      tpu.wait_dma2 semaphore(%run_scoped3A : memref<!tpu.dma_semaphore, #tpu.memory_space<semaphore_mem>>) src(%dma_wait3A_10 : memref<64xi32, #tpu.memory_space<hbm>>) dst(%arg5 : memref<64xi32, #tpu.memory_space<vmem>>)
      tpu.yield
    }) : () -> ()
    %dma_start3A = arith.constant 0 : i32
    %dma_start3A_3 = arith.constant 0 : i32
    %dma_start3A_4 = tpu.memref_slice %arg2[%dma_start3A, %dma_start3A_3] : memref<4096x128xf32, #tpu.memory_space<hbm>> -> memref<4096x128xf32, #tpu.memory_space<hbm>>
    tpu.enqueue_indirect_dma source(%dma_start3A_4 : memref<4096x128xf32, #tpu.memory_space<hbm>>) target(%arg6 : memref<64x128xf32, #tpu.memory_space<vmem>>) offsets(%arg5 : memref<64xi32, #tpu.memory_space<vmem>>) semaphore(%arg7 : memref<!tpu.dma_semaphore, #tpu.memory_space<semaphore_mem>>)
    %dma_wait3A = arith.constant 0 : i32
    %dma_wait3A_5 = arith.constant 0 : i32
    %dma_wait3A_6 = tpu.memref_slice %arg2[%dma_wait3A, %dma_wait3A_5] : memref<4096x128xf32, #tpu.memory_space<hbm>> -> memref<4096x128xf32, #tpu.memory_space<hbm>>
    tpu.wait_indirect_dma semaphore(%arg7 : memref<!tpu.dma_semaphore, #tpu.memory_space<semaphore_mem>>) src(%dma_wait3A_6 : memref<4096x128xf32, #tpu.memory_space<hbm>>) dst(%arg6 : memref<64x128xf32, #tpu.memory_space<vmem>>)
    "tpu.region"() ({
      %run_scoped3A = tpu.sem_alloc : memref<!tpu.dma_semaphore, #tpu.memory_space<semaphore_mem>>
      %dma_start3A_7 = arith.constant 0 : i32
      %dma_start3A_8 = tpu.memref_slice %arg4[%mul3A_2, %dma_start3A_7] : memref<2048x128xf32, #tpu.memory_space<hbm>> -> memref<64x128xf32, #tpu.memory_space<hbm>>
      %dma_start3A_9 = arith.constant 0 : i32
      %dma_start3A_10 = tpu.memref_slice %arg4[%mul3A_2, %dma_start3A_9] : memref<2048x128xf32, #tpu.memory_space<hbm>> -> memref<64x128xf32, #tpu.memory_space<hbm>>
      tpu.enqueue_dma source(%arg6 : memref<64x128xf32, #tpu.memory_space<vmem>>) target(%dma_start3A_10 : memref<64x128xf32, #tpu.memory_space<hbm>>) target_semaphore(%run_scoped3A : memref<!tpu.dma_semaphore, #tpu.memory_space<semaphore_mem>>)
      %dma_wait3A_11 = arith.constant 0 : i32
      %dma_wait3A_12 = tpu.memref_slice %arg4[%mul3A_2, %dma_wait3A_11] : memref<2048x128xf32, #tpu.memory_space<hbm>> -> memref<64x128xf32, #tpu.memory_space<hbm>>
      %dma_wait3A_13 = arith.constant 0 : i32
      %dma_wait3A_14 = tpu.memref_slice %arg4[%mul3A_2, %dma_wait3A_13] : memref<2048x128xf32, #tpu.memory_space<hbm>> -> memref<64x128xf32, #tpu.memory_space<hbm>>
      tpu.wait_dma2 semaphore(%run_scoped3A : memref<!tpu.dma_semaphore, #tpu.memory_space<semaphore_mem>>) src(%arg6 : memref<64x128xf32, #tpu.memory_space<vmem>>) dst(%dma_wait3A_14 : memref<64x128xf32, #tpu.memory_space<hbm>>)
      tpu.yield
    }) : () -> ()
    return
  }
}

module attributes {stable_mosaic.version = 14 : i64} {
  func.func @_encode_body(%arg0: i32, %arg1: memref<512x2048xf32, #tpu.memory_space<vmem>>, %arg2: memref<2048x64xf32, #tpu.memory_space<vmem>>, %arg3: memref<1x64xf32, #tpu.memory_space<vmem>>, %arg4: memref<8192x64xf32, #tpu.memory_space<vmem>>, %arg5: memref<512x64xf32, #tpu.memory_space<vmem>>, %arg6: memref<1x1x512xi32, #tpu.memory_space<vmem>>, %arg7: memref<1x1x512xi32, #tpu.memory_space<vmem>>) attributes {dimension_semantics = [#tpu.dimension_semantics<parallel>], iteration_bounds = array<i64: 4>, scalar_prefetch = 0 : i64, scratch_operands = 0 : i64, tpu.core_type = #tpu.core_type<tc>, window_params = [{transform_indices = @transform_0, window_bounds = array<i64: 512, 2048>}, {pipeline_mode = #tpu.pipeline_mode<synchronous>, transform_indices = @transform_1, window_bounds = array<i64: 2048, 64>}, {pipeline_mode = #tpu.pipeline_mode<synchronous>, transform_indices = @transform_2, window_bounds = array<i64: 1, 64>}, {pipeline_mode = #tpu.pipeline_mode<synchronous>, transform_indices = @transform_3, window_bounds = array<i64: 8192, 64>}, {transform_indices = @transform_4, window_bounds = array<i64: 512, 64>}, {transform_indices = @transform_5, window_bounds = array<i64: 1, 1, 512>}, {transform_indices = @transform_6, window_bounds = array<i64: 1, 1, 512>}]} {
    %get3A = arith.constant 0 : index
    %get3A_0 = arith.constant 0 : index
    %get3A_1 = vector.load %arg1[%get3A, %get3A_0] : memref<512x2048xf32, #tpu.memory_space<vmem>>, vector<512x2048xf32>
    %get3A_2 = arith.constant 0 : index
    %get3A_3 = arith.constant 0 : index
    %get3A_4 = vector.load %arg4[%get3A_2, %get3A_3] : memref<8192x64xf32, #tpu.memory_space<vmem>>, vector<8192x64xf32>
    %get3A_5 = arith.constant 0 : index
    %get3A_6 = arith.constant 0 : index
    %get3A_7 = vector.load %arg2[%get3A_5, %get3A_6] : memref<2048x64xf32, #tpu.memory_space<vmem>>, vector<2048x64xf32>
    %dot_general3A = arith.constant dense<0.000000e+00> : vector<512x64xf32>
    %dot_general3A_8 = tpu.matmul %get3A_1, %get3A_7, %dot_general3A {dimension_numbers = #tpu.dot_dimension_numbers<[1], [0], [0], [1], [0, 0, 1, 1], [], []>, transpose_lhs_hint = false} : vector<512x2048xf32>, vector<2048x64xf32>, vector<512x64xf32> -> vector<512x64xf32>
    %get3A_9 = arith.constant 0 : index
    %get3A_10 = arith.constant 0 : index
    %get3A_11 = vector.load %arg3[%get3A_9, %get3A_10] : memref<1x64xf32, #tpu.memory_space<vmem>>, vector<1x64xf32>
    %add3A = vector.broadcast %get3A_11 : vector<1x64xf32> to vector<512x64xf32>
    %add3A_12 = arith.addf %dot_general3A_8, %add3A : vector<512x64xf32>
    %swap3A = arith.constant 0 : index
    %swap3A_13 = arith.constant 0 : index
    %swap3A_14 = vector.load %arg5[%swap3A, %swap3A_13] : memref<512x64xf32, #tpu.memory_space<vmem>>, vector<512x64xf32>
    tpu.vector_store %arg5[%swap3A, %swap3A_13], %add3A_12 {strides = array<i32>} : memref<512x64xf32, #tpu.memory_space<vmem>>, vector<512x64xf32>,
    %mul3A = arith.mulf %add3A_12, %add3A_12 : vector<512x64xf32>
    %reduce_sum3A = arith.constant dense<0.000000e+00> : vector<512xf32>
    %reduce_sum3A_15 = vector.multi_reduction <add>, %mul3A, %reduce_sum3A [1] : vector<512x64xf32> to vector<512xf32>
    %broadcast_in_dim3A = vector.shape_cast %reduce_sum3A_15 : vector<512xf32> to vector<512x1xf32>
    %dot_general3A_16 = arith.constant dense<0.000000e+00> : vector<512x8192xf32>
    %dot_general3A_17 = tpu.matmul %add3A_12, %get3A_4, %dot_general3A_16 {dimension_numbers = #tpu.dot_dimension_numbers<[1], [1], [0], [0], [0, 0, 1, 0], [], []>, transpose_lhs_hint = false} : vector<512x64xf32>, vector<8192x64xf32>, vector<512x8192xf32> -> vector<512x8192xf32>
    %mul3A_18 = arith.mulf %get3A_4, %get3A_4 : vector<8192x64xf32>
    %reduce_sum3A_19 = arith.constant dense<0.000000e+00> : vector<8192xf32>
    %reduce_sum3A_20 = vector.multi_reduction <add>, %mul3A_18, %reduce_sum3A_19 [1] : vector<8192x64xf32> to vector<8192xf32>
    %mul3A_21 = arith.constant 2.000000e+00 : f32
    %mul3A_22 = vector.broadcast %mul3A_21 : f32 to vector<512x8192xf32>
    %mul3A_23 = arith.mulf %mul3A_22, %dot_general3A_17 : vector<512x8192xf32>
    %sub3A = vector.broadcast %broadcast_in_dim3A : vector<512x1xf32> to vector<512x8192xf32>
    %sub3A_24 = arith.subf %sub3A, %mul3A_23 : vector<512x8192xf32>
    %broadcast_in_dim3A_25 = vector.shape_cast %reduce_sum3A_20 : vector<8192xf32> to vector<1x8192xf32>
    %add3A_26 = vector.broadcast %broadcast_in_dim3A_25 : vector<1x8192xf32> to vector<512x8192xf32>
    %add3A_27 = arith.addf %sub3A_24, %add3A_26 : vector<512x8192xf32>
    %argmin3A = tpu.reduce_index %add3A_27 {axis = 1 : i32, kind = #tpu.reduction_kind<arg_min>} : vector<512x8192xf32> -> vector<512xi32>
    %broadcast_in_dim3A_28 = vector.shape_cast %argmin3A : vector<512xi32> to vector<1x1x512xi32>
    %swap3A_29 = arith.constant 0 : index
    %swap3A_30 = arith.constant 0 : index
    %swap3A_31 = arith.constant 0 : index
    %swap3A_32 = vector.load %arg6[%swap3A_29, %swap3A_30, %swap3A_31] : memref<1x1x512xi32, #tpu.memory_space<vmem>>, vector<1x1x512xi32>
    tpu.vector_store %arg6[%swap3A_29, %swap3A_30, %swap3A_31], %broadcast_in_dim3A_28 {strides = array<i32>} : memref<1x1x512xi32, #tpu.memory_space<vmem>>, vector<1x1x512xi32>,
    %shift_right_logical3A = arith.constant 1 : i32
    %shift_right_logical3A_33 = vector.broadcast %shift_right_logical3A : i32 to vector<512xi32>
    %shift_right_logical3A_34 = arith.shrui %argmin3A, %shift_right_logical3A_33 : vector<512xi32>
    %broadcast_in_dim3A_35 = vector.shape_cast %shift_right_logical3A_34 : vector<512xi32> to vector<1x1x512xi32>
    %swap3A_36 = arith.constant 0 : index
    %swap3A_37 = arith.constant 0 : index
    %swap3A_38 = arith.constant 0 : index
    %swap3A_39 = vector.load %arg7[%swap3A_36, %swap3A_37, %swap3A_38] : memref<1x1x512xi32, #tpu.memory_space<vmem>>, vector<1x1x512xi32>
    tpu.vector_store %arg7[%swap3A_36, %swap3A_37, %swap3A_38], %broadcast_in_dim3A_35 {strides = array<i32>} : memref<1x1x512xi32, #tpu.memory_space<vmem>>, vector<1x1x512xi32>,
    return
  }
  func.func @transform_0(%arg0: i32) -> (i32, i32) {
    %c0_i32 = arith.constant 0 : i32
    %c0_i32_0 = arith.constant 0 : i32
    return %arg0, %c0_i32 : i32, i32
  }
  func.func @transform_1(%arg0: i32) -> (i32, i32) {
    %c0_i32 = arith.constant 0 : i32
    %c0_i32_0 = arith.constant 0 : i32
    %c0_i32_1 = arith.constant 0 : i32
    return %c0_i32, %c0_i32_0 : i32, i32
  }
  func.func @transform_2(%arg0: i32) -> (i32, i32) {
    %c0_i32 = arith.constant 0 : i32
    %c0_i32_0 = arith.constant 0 : i32
    %c0_i32_1 = arith.constant 0 : i32
    return %c0_i32, %c0_i32_0 : i32, i32
  }
  func.func @transform_3(%arg0: i32) -> (i32, i32) {
    %c0_i32 = arith.constant 0 : i32
    %c0_i32_0 = arith.constant 0 : i32
    %c0_i32_1 = arith.constant 0 : i32
    return %c0_i32, %c0_i32_0 : i32, i32
  }
  func.func @transform_4(%arg0: i32) -> (i32, i32) {
    %c0_i32 = arith.constant 0 : i32
    %c0_i32_0 = arith.constant 0 : i32
    return %arg0, %c0_i32 : i32, i32
  }
  func.func @transform_5(%arg0: i32) -> (i32, i32, i32) {
    %c0_i32 = arith.constant 0 : i32
    %c0_i32_0 = arith.constant 0 : i32
    %c0_i32_1 = arith.constant 0 : i32
    return %arg0, %c0_i32, %c0_i32_0 : i32, i32, i32
  }
  func.func @transform_6(%arg0: i32) -> (i32, i32, i32) {
    %c0_i32 = arith.constant 0 : i32
    %c0_i32_0 = arith.constant 0 : i32
    %c0_i32_1 = arith.constant 0 : i32
    return %arg0, %c0_i32, %c0_i32_0 : i32, i32, i32
  }
}

module attributes {stable_mosaic.version = 14 : i64} {
  func.func @_decode_body(%arg0: i32, %arg1: memref<256x64xf32, #tpu.memory_space<vmem>>, %arg2: memref<256x128xf32, #tpu.memory_space<vmem>>, %arg3: memref<1x1x256xi32, #tpu.memory_space<vmem>>, %arg4: memref<64x2048xf32, #tpu.memory_space<vmem>>, %arg5: memref<1x2048xf32, #tpu.memory_space<vmem>>, %arg6: memref<256x2048xf32, #tpu.memory_space<vmem>>) attributes {dimension_semantics = [#tpu.dimension_semantics<parallel>], iteration_bounds = array<i64: 8>, scalar_prefetch = 0 : i64, scratch_operands = 0 : i64, tpu.core_type = #tpu.core_type<tc>, window_params = [{transform_indices = @transform_0, window_bounds = array<i64: 256, 64>}, {transform_indices = @transform_1, window_bounds = array<i64: 256, 128>}, {transform_indices = @transform_2, window_bounds = array<i64: 1, 1, 256>}, {pipeline_mode = #tpu.pipeline_mode<synchronous>, transform_indices = @transform_3, window_bounds = array<i64: 64, 2048>}, {pipeline_mode = #tpu.pipeline_mode<synchronous>, transform_indices = @transform_4, window_bounds = array<i64: 1, 2048>}, {transform_indices = @transform_5, window_bounds = array<i64: 256, 2048>}]} {
    %get3A = arith.constant 0 : index
    %get3A_0 = arith.constant 0 : index
    %get3A_1 = vector.load %arg1[%get3A, %get3A_0] : memref<256x64xf32, #tpu.memory_space<vmem>>, vector<256x64xf32>
    %get3A_2 = arith.constant 0 : index
    %get3A_3 = arith.constant 0 : index
    %get3A_4 = vector.load %arg2[%get3A_2, %get3A_3] : memref<256x128xf32, #tpu.memory_space<vmem>>, vector<256x128xf32>
    %get3A_5 = arith.constant 0 : index
    %get3A_6 = arith.constant 0 : index
    %get3A_7 = arith.constant 0 : index
    %get3A_8 = vector.load %arg3[%get3A_5, %get3A_6, %get3A_7] : memref<1x1x256xi32, #tpu.memory_space<vmem>>, vector<1x1x256xi32>
    %get3A_9 = vector.shape_cast %get3A_8 : vector<1x1x256xi32> to vector<256xi32>
    %and3A = arith.constant 1 : i32
    %and3A_10 = vector.broadcast %and3A : i32 to vector<256xi32>
    %and3A_11 = arith.andi %get3A_9, %and3A_10 : vector<256xi32>
    %broadcast_in_dim3A = vector.shape_cast %and3A_11 : vector<256xi32> to vector<256x1xi32>
    %eq3A = arith.constant 1 : i32
    %eq3A_12 = vector.broadcast %eq3A : i32 to vector<256x1xi32>
    %eq3A_13 = arith.cmpi eq, %broadcast_in_dim3A, %eq3A_12 : vector<256x1xi32>
    %slice3A = vector.extract_strided_slice %get3A_4 {offsets = [0, 64], sizes = [256, 64], strides = [1, 1]} : vector<256x128xf32> to vector<256x64xf32>
    %slice3A_14 = vector.extract_strided_slice %get3A_4 {offsets = [0, 0], sizes = [256, 64], strides = [1, 1]} : vector<256x128xf32> to vector<256x64xf32>
    %broadcast_in_dim3A_15 = vector.shape_cast %eq3A_13 : vector<256x1xi1> to vector<256x1xi1>
    %broadcast_in_dim3A_16 = vector.broadcast %broadcast_in_dim3A_15 : vector<256x1xi1> to vector<256x64xi1>
    %select_n3A = arith.select %broadcast_in_dim3A_16, %slice3A, %slice3A_14 : vector<256x64xi1>, vector<256x64xf32>
    %sub3A = arith.subf %select_n3A, %get3A_1 : vector<256x64xf32>
    %add3A = arith.addf %get3A_1, %sub3A : vector<256x64xf32>
    %get3A_17 = arith.constant 0 : index
    %get3A_18 = arith.constant 0 : index
    %get3A_19 = vector.load %arg4[%get3A_17, %get3A_18] : memref<64x2048xf32, #tpu.memory_space<vmem>>, vector<64x2048xf32>
    %dot_general3A = arith.constant dense<0.000000e+00> : vector<256x2048xf32>
    %dot_general3A_20 = tpu.matmul %add3A, %get3A_19, %dot_general3A {dimension_numbers = #tpu.dot_dimension_numbers<[1], [0], [0], [1], [0, 0, 1, 1], [], []>, transpose_lhs_hint = false} : vector<256x64xf32>, vector<64x2048xf32>, vector<256x2048xf32> -> vector<256x2048xf32>
    %get3A_21 = arith.constant 0 : index
    %get3A_22 = arith.constant 0 : index
    %get3A_23 = vector.load %arg5[%get3A_21, %get3A_22] : memref<1x2048xf32, #tpu.memory_space<vmem>>, vector<1x2048xf32>
    %add3A_24 = vector.broadcast %get3A_23 : vector<1x2048xf32> to vector<256x2048xf32>
    %add3A_25 = arith.addf %dot_general3A_20, %add3A_24 : vector<256x2048xf32>
    %swap3A = arith.constant 0 : index
    %swap3A_26 = arith.constant 0 : index
    %swap3A_27 = vector.load %arg6[%swap3A, %swap3A_26] : memref<256x2048xf32, #tpu.memory_space<vmem>>, vector<256x2048xf32>
    tpu.vector_store %arg6[%swap3A, %swap3A_26], %add3A_25 {strides = array<i32>} : memref<256x2048xf32, #tpu.memory_space<vmem>>, vector<256x2048xf32>,
    return
  }
  func.func @transform_0(%arg0: i32) -> (i32, i32) {
    %c0_i32 = arith.constant 0 : i32
    %c0_i32_0 = arith.constant 0 : i32
    return %arg0, %c0_i32 : i32, i32
  }
  func.func @transform_1(%arg0: i32) -> (i32, i32) {
    %c0_i32 = arith.constant 0 : i32
    %c0_i32_0 = arith.constant 0 : i32
    return %arg0, %c0_i32 : i32, i32
  }
  func.func @transform_2(%arg0: i32) -> (i32, i32, i32) {
    %c0_i32 = arith.constant 0 : i32
    %c0_i32_0 = arith.constant 0 : i32
    %c0_i32_1 = arith.constant 0 : i32
    return %arg0, %c0_i32, %c0_i32_0 : i32, i32, i32
  }
  func.func @transform_3(%arg0: i32) -> (i32, i32) {
    %c0_i32 = arith.constant 0 : i32
    %c0_i32_0 = arith.constant 0 : i32
    %c0_i32_1 = arith.constant 0 : i32
    return %c0_i32, %c0_i32_0 : i32, i32
  }
  func.func @transform_4(%arg0: i32) -> (i32, i32) {
    %c0_i32 = arith.constant 0 : i32
    %c0_i32_0 = arith.constant 0 : i32
    %c0_i32_1 = arith.constant 0 : i32
    return %c0_i32, %c0_i32_0 : i32, i32
  }
  func.func @transform_5(%arg0: i32) -> (i32, i32) {
    %c0_i32 = arith.constant 0 : i32
    %c0_i32_0 = arith.constant 0 : i32
    return %arg0, %c0_i32 : i32, i32
  }
}

</mosaic_0001>

<sc_bundles>
// kernel: kernel.5.cloned.1.call-start
scs
__scs_entry_jumppad:
0x0: {  	(pc) =	sbr.rel $0x88, $3  }
0x1: {  	(tag) =	ssettag $0x0;
	lr =	simm.s32 $0x1  }
0x2: {  	[smem:$0x3F9B] =	sst lr;
	_ =	strace $0xD0000000  }
0x3: {  	_ = 	snop  }
0x4: {  	_ = 	snop  }
0x5: {  	_ = 	snop  }
0x6: {  	_ = 	snop  }
0x7: {  	_ = 	snop  }
__scs_overlays_trampoline_lowered:
0x8: {  	[smem:$0x3FAA] =	sst s0  }
0x9: {  	[smem:$0x3FAB] =	sst s1  }
0xa: {  	[smem:$0x3FAC] =	sst s2  }
0xb: {  	[smem:$0x3FAD] =	sst s3  }
0xc: {  	[smem:$0x3FAE] =	sst s4  }
0xd: {  	[smem:$0x3FAF] =	sst s5  }
0xe: {  	[smem:$0x3FB0] =	sst s6  }
0xf: {  	[smem:$0x3FB1] =	sst s7  }
0x10: {  	[smem:$0x3FB2] =	sst s8  }
0x11: {  	[smem:$0x3FB3] =	sst s9;
	s0 =	simm.s32 @!p0 $0x0  }
0x12: {  	s1 =	sld [smem:$0x3F99];
	s0 =	simm.s32 @p0 $0x1  }
0x13: {  	[smem:$0x3FB4] =	sst s0;
	s0 =	simm.s32 @!p1 $0x0  }
0x14: {  	s2 =	sld [smem:$0x3F98];
	s0 =	simm.s32 @p1 $0x1  }
0x15: {  	[smem:$0x3FB5] =	sst s0;
	s0 =	simm.s32 @!p2 $0x0  }
0x16: {  	s3 =	sld [smem:$0x3FDB];
	s0 =	simm.s32 @p2 $0x1  }
0x17: {  	s4 =	simm.s32 $0x1BF5;
	[smem:$0x3FB7] =	sst s0  }
0x18: {  	s0 =	sld [smem:$0x3F9A];
	_ =	swait.ge [sflag:s4], $0x0  }
0x19: {  	s7 =	sld [smem:$0x3F9B]  }
0x1a: {  	s8 =	sadd.s32 $0xFFFFE003, lr  }
0x1b: {  	s9 =	sadd.s32 $0xFFFFFEF7, lr;
	s5 =	simm.s32 $0xFFFFFFFF;
	p2 =	slt.u32 s8, $0xFFFFF086  }
0x1c: {  	p1 =	slt.u32 s9, $0xF7A;
	s5 =	simm.s32 @!p2 $0x0  }
0x1d: {  	s5 =	simm.s32 @p1 $0x1;
	p0 =	seq.s32 s7, s2  }
0x1e: {  	s7 =	smul.u32 @!p0 $0xF7A, s2;
	p2 =	seq.s32 @!p0 s5, $0x0  }
0x1f: {  	s9 =	smul.u32 $0xF7A, s1;
	s8 =	simm.s32 @!p0 $0x1BF5;
	p2 =	por !p2, p0  }
0x20: {  	[sflag:s8] =	ssyncset.s32 @!p0 $0xFFFFF086;
	s6 =	sadd.s32 @!p0 s3, s7;
	s7 =	simm.s32 @!p0 $0x108  }
0x21: {  	s3 =	sadd.s32 s3, s9;
	s6 =	sadd.s32 @!p0 $0x88, s6;
	s7 =	simm.s32 @p2 $0x1082  }
0x22: {  	[simem:s7], [sflag:s8] =	dma.local @!p0 [hbm:s6], $0xF7A  }
0x23: {  	s9 =	sor.u32 $0xD0000000, s2;
	s6 =	simm.s32 $0x108;
	_ =	swait.ge @!p0 [sflag:s8], $0x0  }
0x24: {  	s3 =	sadd.s32 $0x88, s3;
	s6 =	simm.s32 @!p1 $0x1082;
	[sflag:s4] =	ssyncset.s32 $0xFFFFF086  }
0x25: {  	[simem:s6], [sflag:s4] =	dma.local [hbm:s3], $0xF7A  }
0x26: {  	[smem:$0x3F9B] =	sst s1;
	(tag) =	ssettag s2;
	_ =	strace s9  }
0x27: {  	s1 =	sld [smem:$0x3FAB]  }
0x28: {  	s2 =	sld [smem:$0x3FAC]  }
0x29: {  	s4 =	sld [smem:$0x3FAE]  }
0x2a: {  	p0 =	seq.s32 s5, $0x0;
	s5 =	sld [smem:$0x3FAF]  }
0x2b: {  	s6 =	sld [smem:$0x3FB0]  }
0x2c: {  	s7 =	sld [smem:$0x3FB1]  }
0x2d: {  	s3 =	simm.s32 $0x108;
	s8 =	sld [smem:$0x3FB2]  }
0x2e: {  	s3 =	simm.s32 @!p0 $0x1082;
	s9 =	sld [smem:$0x3FB3]  }
0x2f: {  	lr =	sadd.s32 s0, s3;
	s0 =	sld [smem:$0x3FAA]  }
0x30: {  	s3 =	sld [smem:$0x3FAD]  }
0x31: {  	[smem:$0x3FB6] =	sst s10  }
0x32: {  	s10 =	sld [smem:$0x3FB4];
	_ =	sdelay $0x3  }
0x33: {  	p0 =	seq.s32 s10, $0x1;
	s10 =	sld [smem:$0x3FB6];
	_ =	sdelay $0x3  }
0x34: {  	[smem:$0x3FB6] =	sst s10  }
0x35: {  	s10 =	sld [smem:$0x3FB5];
	_ =	sdelay $0x3  }
0x36: {  	p1 =	seq.s32 s10, $0x1;
	s10 =	sld [smem:$0x3FB6];
	_ =	sdelay $0x3  }
0x37: {  	[smem:$0x3FB6] =	sst s10  }
0x38: {  	s10 =	sld [smem:$0x3FB7]  }
0x39: {  	_ = 	snop;
	(pc) =	sbr.ind lr, $3  }
0x3a: {  	_ = 	snop  }
0x3b: {  	_ = 	snop  }
0x3c: {  	p2 =	seq.s32 s10, $0x1;
	s10 =	sld [smem:$0x3FB6]  }
0x3d: {  	_ =	shalt  }
0x3e: {  	_ =	shalt  }
0x3f: {  	_ =	shalt  }
0x40: {  	_ =	shalt  }
0x41: {  	_ =	shalt  }
0x42: {  	_ =	shalt  }
0x43: {  	_ =	shalt  }
0x44: {  	_ =	shalt  }
0x45: {  	_ =	shalt  }
0x46: {  	_ =	shalt  }
0x47: {  	_ =	shalt  }
0x48: {  	_ =	shalt  }
0x49: {  	_ =	shalt  }
0x4a: {  	_ =	shalt  }
0x4b: {  	_ =	shalt  }
0x4c: {  	_ =	shalt  }
0x4d: {  	_ =	shalt  }
0x4e: {  	_ =	shalt  }
0x4f: {  	_ =	shalt  }
0x50: {  	_ =	shalt  }
0x51: {  	_ =	shalt  }
0x52: {  	_ =	shalt  }
0x53: {  	_ =	shalt  }
0x54: {  	_ =	shalt  }
0x55: {  	_ =	shalt  }
0x56: {  	_ =	shalt  }
0x57: {  	_ =	shalt  }
0x58: {  	_ =	shalt  }
0x59: {  	_ =	shalt  }
0x5a: {  	_ =	shalt  }
0x5b: {  	_ =	shalt  }
0x5c: {  	_ =	shalt  }
0x5d: {  	_ =	shalt  }
0x5e: {  	_ =	shalt  }
0x5f: {  	_ =	shalt  }
0x60: {  	_ =	shalt  }
0x61: {  	_ =	shalt  }
0x62: {  	_ =	shalt  }
0x63: {  	_ =	shalt  }
0x64: {  	_ =	shalt  }
0x65: {  	_ =	shalt  }
0x66: {  	_ =	shalt  }
0x67: {  	_ =	shalt  }
0x68: {  	_ =	shalt  }
0x69: {  	_ =	shalt  }
0x6a: {  	_ =	shalt  }
0x6b: {  	_ =	shalt  }
0x6c: {  	_ =	shalt  }
0x6d: {  	_ =	shalt  }
0x6e: {  	_ =	shalt  }
0x6f: {  	_ =	shalt  }
0x70: {  	_ =	shalt  }
0x71: {  	_ =	shalt  }
0x72: {  	_ =	shalt  }
0x73: {  	_ =	shalt  }
0x74: {  	_ =	shalt  }
0x75: {  	_ =	shalt  }
0x76: {  	_ =	shalt  }
0x77: {  	_ =	shalt  }
0x78: {  	_ =	shalt  }
0x79: {  	_ =	shalt  }
0x7a: {  	_ =	shalt  }
0x7b: {  	_ =	shalt  }
0x7c: {  	_ =	shalt  }
0x7d: {  	_ =	shalt  }
0x7e: {  	_ =	shalt  }
0x7f: {  	_ =	shalt  }
0x80: {  	_ =	shalt  }
0x81: {  	_ =	shalt  }
0x82: {  	_ =	shalt  }
0x83: {  	_ =	shalt  }
0x84: {  	_ =	shalt  }
0x85: {  	_ =	shalt  }
0x86: {  	_ =	shalt  }
0x87: {  	_ =	shalt  }
.Lfunc_end0:
.L_simem_size_0:
called_computation_lowered:
.L_overlay_start_0:
0x88: {  	s2 =	sld [smem:$0x3FD9]  }
0x89: {  	s3 =	sld [smem:$0x3FFE];
	_ =	sdelay $0x1  }
0x8a: {  	s1 =	srdreg.scid  }
0x8b: {  	s0 =	sand.u32 $0x1, s1  }
0x8c: {  	s17 =	sshll.u32 s0, $0xA;
	s2 =	sadd.s32 s3, s2  }
0x8d: {  	s2 =	sadd.s32 s2, s17  }
0x8e: {  	[smem:$0x3FC2] =	sst s2  }
0x8f: {  	_ = 	snop  }
0x90: {  	s2 =	sld [smem:$0x3FD0];
	(tm) =	ssettm $0x1  }
0x91: {  	s18 =	sld [smem:$0x3FFB];
	_ =	sdelay $0x3  }
0x92: {  	_ =	strace s18  }
0x93: {  	s3 =	sld [smem:$0x3FFC];
	_ =	sdelay $0x3  }
0x94: {  	_ =	strace s3  }
0x95: {  	s3 =	sld [smem:$0x3FFD];
	_ =	sdelay $0x3  }
0x96: {  	_ =	strace s3  }
0x97: {  	_ =	strace $0x8FFFFFFF  }
0x98: {  	s19 =	sld [smem:$0x3FDB];
	_ =	sdelay $0x1  }
0x99: {  	s4 =	simm.s32 $_scs_section_size  }
0x9a: {  	s5 =	simm.s32 $_size__tile_overlayer_lowered;
	s6 =	simm.s32 $_tile_overlayer_lowered  }
0x9b: {  	s22 =	simm.s32 $0x1BFF;
	s21 =	sshll.u32 s6, $0x1;
	s3 =	sadd.s32 s4, s19  }
0x9c: {  	s7 =	simm.s32 $0x0;
	s20 =	sshll.u32 s5, $0x1;
	s5 =	sadd.s32 s21, s3  }
0x9d: {  	[timem:s7], [sflag:s22] =	dma.local [hbm:s5], s20  }
0x9e: {  	_ =	swait.ge [sflag:s22], s20  }
0x9f: {  	s4 =	ssub.s32 $0x0, s20;
	[sflag:s22] =	ssyncset.done $0x0  }
0xa0: {  	[sflag:s22] =	ssyncadd.s32 s4;
	_ =	sdelay $0x1  }
0xa1: {  	s23 =	simm.s32 $0x1B8B  }
0xa2: {  	_ =	swait.ge [sflag:s23], $0x1  }
0xa3: {  	[sflag:s23] =	ssyncset.done $0x0  }
0xa4: {  	s25 =	simm.s32 $0x1B8E;
	s24 =	sld [smem:$0x3FFE];
	[sflag:s23] =	ssyncadd.s32 $0xFFFFFFFF  }
0xa5: {  	s26 =	simm.s32 $execute0_lowered;
	[smem:$0x3FD2] =	sst s25  }
0xa6: {  	s5 =	sshll.u32 s26, $0x1;
	_ =	strace $0x80000046;
	[dreg:$0x1] =	wrdreg $0xFFFFFFFF  }
0xa7: {  	s28 =	simm.s32 $_size_execute0_lowered;
	s3 =	sadd.s32 s3, s5;
	[dreg:$0x0] =	wrdreg $0x0  }
0xa8: {  	s5 =	sshll.u32 s28, $0x1;
	[dreg:$0x2] =	wrdreg s3  }
0xa9: {  	[dreg:$0x3] =	wrdreg s5  }
0xaa: {  	[dreg:$0x4] =	wrdreg $0xC0  }
0xab: {  	_ =	task [dreg:s7], $0x5FFFF  }
0xac: {  	[dreg:$0x1] =	wrdreg $0xFFFFFFFF  }
0xad: {  	[dreg:$0x0] =	wrdreg $0x60  }
0xae: {  	[dreg:$0x2] =	wrdreg s2  }
0xaf: {  	[dreg:$0x3] =	wrdreg s24  }
0xb0: {  	[dreg:$0x4] =	wrdreg $0x9  }
0xb1: {  	_ =	task.clear_ibuf [dreg:s7], $0x5FFFF;
	_ =	strace $0x90000046  }
0xb2: {  	s29 =	simm.s32 $0x9;
	_ =	strace $0x80000048  }
0xb3: {  	_ =	swait.ge [sflag:s29], $0x1  }
0xb4: {  	[sflag:s29] =	ssyncadd.s32 $0xFFFFFFFF  }
0xb5: {  	_ =	strace $0x90000048  }
0xb6: {  	_ =	sfence  }
0xb7: {  	s30 =	sld [smem:$0x0];
	_ =	sdelay $0x2  }
0xb8: {  	s31 =	sshll.u32 s1, $0xD;
	s1 =	sshrl.u32 s1, $0x2  }
0xb9: {  	s3 =	sand.u32 $0x4000, s31;
	s1 =	sadd.s32 s1, s30  }
0xba: {  	s0 =	sor.u32 s3, s0;
	s1 =	sshll.u32 s1, $0x11  }
0xbb: {  	s0 =	sor.u32 s1, s0  }
0xbc: {  	s0 =	sadd.s32 $0x8F2B, s0  }
0xbd: {  	[sflag:s0] =	ssyncadd.remote.s32 $0x1  }
0xbe: {  	_ =	sfence.sel $0xFFFF  }
0xbf: {  	[dreg:$0x0] =	wrdreg $0xFFFFFFFF;
	(pc) =	sbr.abs _section_cstart, $3  }
0xc0: {  	[dreg:$0x1] =	wrdreg $0xFFFFFFFF  }
0xc1: {  	_ =	task.clear_ibuf [dreg:s7], $0x2FFFF;
	_ =	strace $0x9FFFFFFF  }
0xc2: {  	(tm) =	ssettm $0x7FFFFFFF  }
0xc3: {  	_ =	shalt  }
tec
execute0_lowered:
.L_overlay_start_1:
0x0: {  	(tag) =	ssettag $0x1  }
0x1: {  	s1 =	srdreg.scid  }
0x2: {  	s0 =	stileid.u32;
	s2 =	rddreg [dreg:$0x0];
	s6 =	sand.u32 $0x1, s1  }
0x3: {  	s9 =	rddreg [dreg:$0x1];
	s30 =	sshll.u32 s0, $0x7;
	s3 =	sshll.u32 s6, $0x6  }
0x4: {  	s7 =	simm.s32 $0x80;
	s8 =	simm.s32 $0x1;
	s10 =	sor.u32 s3, s30  }
0x5: {  	s1 =	rddreg [dreg:$0x2];
	s3 =	simm.s32 $0x0;
	s4 =	sshrl.u32 s10, $0x3  }
0x6: {  	s11 =	ssub.s32 $0x2, s6;
	[smem:$0x7FF] =	sst s3;
	s4 =	sadd.s32 s4, s9  }
0x7: {  	_ =	strace $0x80000047;
	s5 =	sadd.s32 $0x1000, s4;
	s4 =	simm.s32 $0x2  }
0x8: {  	[tilespmem:s3], [sflag:$0x2] =	stream.linear.gather [hbm4b:s5+s3], $0x40, $0x38;
	[tilespmem:$0x2080] =	vst v63  }
0x9: {  	s6 =	simm.s32 $0x40;
	s12 =	sshrl.u32 s11, $0x1;
	_ =	swait.ge [sflag:s4], $0x40  }
0xa: {  	s10 =	sshll.u32 s10, $0x4;
	s31 =	ssub.s32 s11, s12;
	[sflag:s4] =	ssyncset.done $0x0  }
0xb: {  	s9 =	sadd.s32 s10, s9;
	s10 =	smax.u32 s31, $0x1;
	[sflag:s4] =	ssyncadd.s32 $0xFFFFFFC0  }
0xc: {  	[tilespmem:s7], [sflag:$0x1] =	stream.indirect.gather [hbm4b:s2+s6], $0x80, s3, s6, $0xb8;
	[tilespmem:$0x2080] =	vst v63  }
0xd: {  	p0 =	sne.s32 s10, $0x1;
	_ =	swait.ge [sflag:s8], $0x2000  }
.Ltmp0:
0xe: {  	[sflag:s8] =	ssyncset.done $0x0;
	(pc) =	sbr.rel @!p0 .LBB2_2-.Ltmp0, $4  }
0xf: {  	s9 =	sadd.s32 $0x1200, s9;
	[sflag:s8] =	ssyncadd.s32 $0xFFFFE000  }
0x10: {  	[hbm4b:s9+s3] =	stream.linear.scatter [tilespmem:s7], [sflag:$0x2], $0x2000, $0x38;
	[tilespmem:$0x2080] =	vst v63  }
0x11: {  	_ =	swait.ge [sflag:s4], $0x2000  }
0x12: {  	s10 =	sadd.s32 $0xFFFFFFFF, s10;
	[sflag:s4] =	ssyncset.done $0x0  }
.LBB2_1:
0x13: {  	p0 =	sne.s32 s10, $0x1;
	s10 =	sadd.s32 $0xFFFFFFFF, s10;
	[sflag:s4] =	ssyncadd.s32 $0xFFFFE000  }
0x14: {  	[tilespmem:s3], [sflag:$0x2] =	stream.linear.gather [hbm4b:s5+s3], $0x40, $0x38;
	[tilespmem:$0x2080] =	vst v63  }
0x15: {  	_ =	swait.ge [sflag:s4], $0x40  }
0x16: {  	[sflag:s4] =	ssyncset.done $0x0  }
0x17: {  	[sflag:s4] =	ssyncadd.s32 $0xFFFFFFC0  }
0x18: {  	[tilespmem:s7], [sflag:$0x1] =	stream.indirect.gather [hbm4b:s2+s6], $0x80, s3, s6, $0xb8;
	[tilespmem:$0x2080] =	vst v63  }
0x19: {  	_ =	swait.ge [sflag:s8], $0x2000  }
.Ltmp1:
0x1a: {  	[sflag:s8] =	ssyncset.done $0x0;
	(pc) =	sbr.rel @p0 .LBB2_1-.Ltmp1, $4  }
0x1b: {  	[sflag:s8] =	ssyncadd.s32 $0xFFFFE000  }
0x1c: {  	[hbm4b:s9+s3] =	stream.linear.scatter [tilespmem:s7], [sflag:$0x2], $0x2000, $0x38;
	[tilespmem:$0x2080] =	vst v63  }
0x1d: {  	_ =	swait.ge [sflag:s4], $0x2000  }
0x1e: {  	[sflag:s4] =	ssyncset.done $0x0  }
.LBB2_2:
0x1f: {  	[sflag:s4] =	ssyncadd.s32 $0xFFFFE000  }
0x20: {  	_ =	sfence.sel $0x180000  }
0x21: {  	[bflag:$0x0] =	sbarrier.arrive $0xFFFF  }
0x22: {  	p0 =	sne.s32 s0, $0x0;
	_ =	strace $0x90000047  }
0x23: {  	s0 =	sadd.s32 @!p0 $0x100000, s1;
	[bflag:$0x2] =	sbarrier.arrive $0xFFFF  }
0x24: {  	[sflag:s0] =	ssyncadd.tile.s32 @!p0 $0x1;
	_ =	shalt  }
.Lfunc_end2:
_tile_overlayer_lowered:
.L_overlay_start_2:
0x25: {  	(tag) =	ssettag $0x2  }
0x26: {  	s0 =	rddreg [dreg:$0x0];
	s2 =	stileid.u32  }
0x27: {  	s1 =	rddreg [dreg:$0x1];
	p0 =	sne.s32 s2, $0x0  }
0x28: {  	s3 =	rddreg [dreg:$0x2];
	[bflag:$0x3] =	sbarrier.arrive $0xFFFF;
	s2 =	simm.s32 @!p0 $0x1C02  }
0x29: {  	[timem:s3], [sflag:s2] =	dma.local @!p0 [hbm:s0], s1  }
0x2a: {  	s0 =	simm.s32 @!p0 $0x2  }
0x2b: {  	_ =	swait.ge @!p0 [sflag:s0], s1  }
0x2c: {  	s1 =	ssub.s32 @!p0 $0x0, s1;
	[sflag:s0] =	ssyncset.done @!p0 $0x0  }
0x2d: {  	[sflag:s0] =	ssyncadd.s32 @!p0 s1  }
0x2e: {  	[bflag:$0x3] =	sbarrier.arrive $0xFFFF  }
0x2f: {  	_ =	shalt  }

</sc_bundles>
